<compile_context>
chip_gen: v7x
topology: tpu7x:2x2x1
jax: 0.10.2.dev20260603
libtpu: 0.0.44.dev20260713+nightly
codegen_flags: <defaults>
</compile_context>

<pallas_src>
import jax
import jax.numpy as jnp
from jax.experimental import pallas as pl
from jax.experimental.pallas import tpu as pltpu

SAMPLES_PER_BLOCK = 8


def kernel(x, A, W1, b1, W2, b2):
    n, t, v, ci = x.shape
    k = A.shape[0]
    h = W1.shape[0] // k
    co = W2.shape[0] // k
    p, r = v * ci, v * co
    q = v * h
    tp = (t + 7) // 8 * 8
    pp = 128
    rp = (r + 127) // 128 * 128
    bn = SAMPLES_PER_BLOCK

    W1r = W1.reshape(k, h, ci).transpose(0, 2, 1)
    W2r = W2.reshape(k, co, h).transpose(0, 2, 1)
    M1 = (A[:, :, None, :, None] * W1r[:, None, :, None, :]).sum(0)
    M1 = M1.reshape(p, q)
    M2 = (A[:, :, None, :, None] * W2r[:, None, :, None, :]).sum(0)
    M2 = M2.reshape(q, r)
    S = A.sum(axis=1)
    b1r = b1.reshape(k, h)
    b2r = b2.reshape(k, co)
    B1 = (S.T[:, :, None] * b1r[None, :, :]).sum(1).reshape(1, q)
    b2eff = (S.T[:, :, None] * b2r[None, :, :]).sum(1).reshape(1, r)

    m1a = jnp.concatenate([M1, B1], axis=0)

    X3 = x.reshape(n, t, p)
    Xp = jax.lax.pad(
        X3, jnp.float32(0), ((0, 0, 0), (0, tp - t, 0), (0, pp - p, 0)))

    def gemm_fold_kernel(x_ref, m1a_ref, m2_ref, b2_ref, out_ref,
                         ms_ref, bs_ref):
        i = pl.program_id(0)

        @pl.when(i == 0)
        def _():
            mf = jnp.dot(m1a_ref[...], m2_ref[...],
                         preferred_element_type=jnp.float32)
            ms_ref[...] = jnp.zeros((pp, rp), jnp.bfloat16)
            ms_ref[0:p, 0:r] = mf[0:p].astype(jnp.bfloat16)
            bs_ref[...] = jnp.zeros((1, rp), jnp.float32)
            bs_ref[0:1, 0:r] = mf[p:p + 1] + b2_ref[...]

        mb = ms_ref[...]
        bb = bs_ref[...]
        for j in range(bn):
            xb = x_ref[j].astype(jnp.bfloat16)
            out_ref[j] = (
                jnp.dot(xb, mb, preferred_element_type=jnp.float32) + bb)

    padded = pl.pallas_call(
        gemm_fold_kernel,
        grid=(n // bn,),
        in_specs=[
            pl.BlockSpec((bn, tp, pp), lambda i: (i, 0, 0)),
            pl.BlockSpec((p + 1, q), lambda i: (0, 0)),
            pl.BlockSpec((q, r), lambda i: (0, 0)),
            pl.BlockSpec((1, r), lambda i: (0, 0)),
        ],
        out_specs=pl.BlockSpec((bn, tp, rp), lambda i: (i, 0, 0)),
        out_shape=jax.ShapeDtypeStruct((n, tp, rp), jnp.float32),
        scratch_shapes=[pltpu.VMEM((pp, rp), jnp.bfloat16),
                        pltpu.VMEM((1, rp), jnp.float32)],
    )(Xp, m1a, M2, b2eff)

    return padded[:, :t, :r]

# --- scband reference (transcript-rebuilt; emitter-appended) ---
"""Pipeline reference for scband-two-layers-gcnpose-embedding-6210522710457 (READ-ONLY COPY).

The authoritative reference and input builder live on the scoring server;
editing this copy changes nothing except your own understanding.
"""

import jax, jax.numpy as jnp
import numpy as np

N, T, V, CI, K, H, CO = 256, 300, 25, 3, 3, 12, 32

def setup_inputs(seed: int = 0) -> dict:
    key = jax.random.key(seed)
    ks = jax.random.split(key, 4)
    x = jax.random.normal(ks[0], (N, T, V, CI), dtype=jnp.float32)
    A = jax.random.uniform(ks[1], (K, V, V), dtype=jnp.float32) / V
    W1 = jax.random.normal(ks[2], (K * H, CI), dtype=jnp.float32) * (1.0 / np.sqrt(CI))
    b1 = jnp.zeros((K * H,), dtype=jnp.float32)
    W2 = jax.random.normal(ks[3], (K * CO, H), dtype=jnp.float32) * (1.0 / np.sqrt(H))
    b2 = jnp.zeros((K * CO,), dtype=jnp.float32)
    return {"x": x, "A": A, "W1": W1, "b1": b1, "W2": W2, "b2": b2}

def _spatial_gcn(x, A, W, b, k):
    # x: [N, C, T, V]; 1x1 conv to k*Co channels, then graph einsum with A [k, V, V]
    y = jnp.einsum('nctv,oc->notv', x, W) + b[None, :, None, None]
    n, kc, t, v = y.shape
    y = y.reshape(n, k, kc // k, t, v)
    return jnp.einsum('nkctv,kvw->nctw', y, A)

def reference(x, A, W1, b1, W2, b2):
    k, v, _ = A.shape
    # to_gcn_layer: [N, T, V, C] -> [N, C, T, V]
    h = jnp.transpose(x, (0, 3, 1, 2))
    h = _spatial_gcn(h, A, W1, b1, k)
    h = _spatial_gcn(h, A, W2, b2, k)
    # from_gcn_layer: [N, C, T, V] -> [N, T, V, C]
    h = jnp.transpose(h, (0, 2, 3, 1))
    # to_embedding_form: [N, T, V, C] -> [N, T, V*C]
    n, t, vv, c = h.shape
    return h.reshape(n, t, vv * c)

if __name__ == "__main__":
    import jax
    _d = setup_inputs()
    print(jax.jit(kernel)(*tuple(_d.values())))

</pallas_src>

<mosaic_0001>
module attributes {stable_mosaic.version = 14 : i64} {
  func.func @gemm_fold_kernel(%arg0: i32, %arg1: memref<8x304x128xf32, #tpu.memory_space<vmem>>, %arg2: memref<76x300xf32, #tpu.memory_space<vmem>>, %arg3: memref<300x800xf32, #tpu.memory_space<vmem>>, %arg4: memref<1x800xf32, #tpu.memory_space<vmem>>, %arg5: memref<8x304x896xf32, #tpu.memory_space<vmem>>, %arg6: memref<128x896xbf16, #tpu.memory_space<vmem>>, %arg7: memref<1x896xf32, #tpu.memory_space<vmem>>) attributes {dimension_semantics = [#tpu.dimension_semantics<arbitrary>], iteration_bounds = array<i64: 32>, scalar_prefetch = 0 : i64, scratch_operands = 2 : i64, tpu.core_type = #tpu.core_type<tc>, window_params = [{transform_indices = @transform_0, window_bounds = array<i64: 8, 304, 128>}, {pipeline_mode = #tpu.pipeline_mode<synchronous>, transform_indices = @transform_1, window_bounds = array<i64: 76, 300>}, {pipeline_mode = #tpu.pipeline_mode<synchronous>, transform_indices = @transform_2, window_bounds = array<i64: 300, 800>}, {pipeline_mode = #tpu.pipeline_mode<synchronous>, transform_indices = @transform_3, window_bounds = array<i64: 1, 800>}, {transform_indices = @transform_4, window_bounds = array<i64: 8, 304, 896>}]} {
    %eq3A = arith.constant 0 : i32
    %eq3A_0 = arith.cmpi eq, %arg0, %eq3A : i32
    %convert_element_type3A = arith.extui %eq3A_0 : i1 to i32
    %cond3A = arith.constant 0 : i32
    %cond3A_1 = arith.cmpi ne, %convert_element_type3A, %cond3A : i32
    scf.if %cond3A_1 {
      %get3A_132 = arith.constant 0 : index
      %get3A_133 = arith.constant 0 : index
      %get3A_134 = vector.load %arg2[%get3A_132, %get3A_133] : memref<76x300xf32, #tpu.memory_space<vmem>>, vector<76x300xf32>
      %get3A_135 = arith.constant 0 : index
      %get3A_136 = arith.constant 0 : index
      %get3A_137 = vector.load %arg3[%get3A_135, %get3A_136] : memref<300x800xf32, #tpu.memory_space<vmem>>, vector<300x800xf32>
      %dot_general3A_138 = arith.constant dense<0.000000e+00> : vector<76x800xf32>
      %dot_general3A_139 = tpu.matmul %get3A_134, %get3A_137, %dot_general3A_138 {dimension_numbers = #tpu.dot_dimension_numbers<[1], [0], [0], [1], [0, 0, 1, 1], [], []>, transpose_lhs_hint = false} : vector<76x300xf32>, vector<300x800xf32>, vector<76x800xf32> -> vector<76x800xf32>
      %broadcast_in_dim3A = arith.constant 0.000000e+00 : bf16
      %broadcast_in_dim3A_140 = vector.broadcast %broadcast_in_dim3A : bf16 to vector<128x896xbf16>
      %swap3A_141 = arith.constant 0 : index
      %swap3A_142 = arith.constant 0 : index
      %swap3A_143 = vector.load %arg6[%swap3A_141, %swap3A_142] : memref<128x896xbf16, #tpu.memory_space<vmem>>, vector<128x896xbf16>
      tpu.vector_store %arg6[%swap3A_141, %swap3A_142], %broadcast_in_dim3A_140 {strides = array<i32>} : memref<128x896xbf16, #tpu.memory_space<vmem>>, vector<128x896xbf16>,
      %slice3A = vector.extract_strided_slice %dot_general3A_139 {offsets = [0, 0], sizes = [75, 800], strides = [1, 1]} : vector<76x800xf32> to vector<75x800xf32>
      %convert_element_type3A_144 = arith.truncf %slice3A : vector<75x800xf32> to vector<75x800xbf16>
      %swap3A_145 = arith.constant 0 : index
      %swap3A_146 = arith.constant 0 : index
      %swap3A_147 = vector.load %arg6[%swap3A_145, %swap3A_146] : memref<128x896xbf16, #tpu.memory_space<vmem>>, vector<75x800xbf16>
      tpu.vector_store %arg6[%swap3A_145, %swap3A_146], %convert_element_type3A_144 {strides = array<i32>} : memref<128x896xbf16, #tpu.memory_space<vmem>>, vector<75x800xbf16>,
      %broadcast_in_dim3A_148 = arith.constant 0.000000e+00 : f32
      %broadcast_in_dim3A_149 = vector.broadcast %broadcast_in_dim3A_148 : f32 to vector<1x896xf32>
      %swap3A_150 = arith.constant 0 : index
      %swap3A_151 = arith.constant 0 : index
      %swap3A_152 = vector.load %arg7[%swap3A_150, %swap3A_151] : memref<1x896xf32, #tpu.memory_space<vmem>>, vector<1x896xf32>
      tpu.vector_store %arg7[%swap3A_150, %swap3A_151], %broadcast_in_dim3A_149 {strides = array<i32>} : memref<1x896xf32, #tpu.memory_space<vmem>>, vector<1x896xf32>,
      %slice3A_153 = vector.extract_strided_slice %dot_general3A_139 {offsets = [75, 0], sizes = [1, 800], strides = [1, 1]} : vector<76x800xf32> to vector<1x800xf32>
      %get3A_154 = arith.constant 0 : index
      %get3A_155 = arith.constant 0 : index
      %get3A_156 = vector.load %arg4[%get3A_154, %get3A_155] : memref<1x800xf32, #tpu.memory_space<vmem>>, vector<1x800xf32>
      %add3A_157 = arith.addf %slice3A_153, %get3A_156 : vector<1x800xf32>
      %swap3A_158 = arith.constant 0 : index
      %swap3A_159 = arith.constant 0 : index
      %swap3A_160 = vector.load %arg7[%swap3A_158, %swap3A_159] : memref<1x896xf32, #tpu.memory_space<vmem>>, vector<1x800xf32>
      tpu.vector_store %arg7[%swap3A_158, %swap3A_159], %add3A_157 {strides = array<i32>} : memref<1x896xf32, #tpu.memory_space<vmem>>, vector<1x800xf32>,
    } else {
    }
    %get3A = arith.constant 0 : index
    %get3A_2 = arith.constant 0 : index
    %get3A_3 = vector.load %arg6[%get3A, %get3A_2] : memref<128x896xbf16, #tpu.memory_space<vmem>>, vector<128x896xbf16>
    %get3A_4 = arith.constant 0 : index
    %get3A_5 = arith.constant 0 : index
    %get3A_6 = vector.load %arg7[%get3A_4, %get3A_5] : memref<1x896xf32, #tpu.memory_space<vmem>>, vector<1x896xf32>
    %get3A_7 = arith.constant 0 : index
    %get3A_8 = arith.constant 0 : index
    %get3A_9 = arith.constant 0 : index
    %get3A_10 = vector.load %arg1[%get3A_7, %get3A_8, %get3A_9] : memref<8x304x128xf32, #tpu.memory_space<vmem>>, vector<1x304x128xf32>
    %get3A_11 = vector.shape_cast %get3A_10 : vector<1x304x128xf32> to vector<304x128xf32>
    %convert_element_type3A_12 = arith.truncf %get3A_11 : vector<304x128xf32> to vector<304x128xbf16>
    %dot_general3A = arith.constant dense<0.000000e+00> : vector<304x896xf32>
    %dot_general3A_13 = tpu.matmul %convert_element_type3A_12, %get3A_3, %dot_general3A {dimension_numbers = #tpu.dot_dimension_numbers<[1], [0], [0], [1], [0, 0, 1, 1], [], []>, transpose_lhs_hint = false} : vector<304x128xbf16>, vector<128x896xbf16>, vector<304x896xf32> -> vector<304x896xf32>
    %add3A = vector.broadcast %get3A_6 : vector<1x896xf32> to vector<304x896xf32>
    %add3A_14 = arith.addf %dot_general3A_13, %add3A : vector<304x896xf32>
    %swap3A = arith.constant 0 : index
    %swap3A_15 = arith.constant 0 : index
    %swap3A_16 = arith.constant 0 : index
    %swap3A_17 = vector.load %arg5[%swap3A, %swap3A_15, %swap3A_16] : memref<8x304x896xf32, #tpu.memory_space<vmem>>, vector<1x304x896xf32>
    %swap3A_18 = vector.shape_cast %swap3A_17 : vector<1x304x896xf32> to vector<304x896xf32>
    %swap3A_19 = vector.shape_cast %add3A_14 : vector<304x896xf32> to vector<1x304x896xf32>
    tpu.vector_store %arg5[%swap3A, %swap3A_15, %swap3A_16], %swap3A_19 {strides = array<i32>} : memref<8x304x896xf32, #tpu.memory_space<vmem>>, vector<1x304x896xf32>,
    %get3A_20 = arith.constant 1 : index
    %get3A_21 = arith.constant 0 : index
    %get3A_22 = arith.constant 0 : index
    %get3A_23 = vector.load %arg1[%get3A_20, %get3A_21, %get3A_22] : memref<8x304x128xf32, #tpu.memory_space<vmem>>, vector<1x304x128xf32>
    %get3A_24 = vector.shape_cast %get3A_23 : vector<1x304x128xf32> to vector<304x128xf32>
    %convert_element_type3A_25 = arith.truncf %get3A_24 : vector<304x128xf32> to vector<304x128xbf16>
    %dot_general3A_26 = arith.constant dense<0.000000e+00> : vector<304x896xf32>
    %dot_general3A_27 = tpu.matmul %convert_element_type3A_25, %get3A_3, %dot_general3A_26 {dimension_numbers = #tpu.dot_dimension_numbers<[1], [0], [0], [1], [0, 0, 1, 1], [], []>, transpose_lhs_hint = false} : vector<304x128xbf16>, vector<128x896xbf16>, vector<304x896xf32> -> vector<304x896xf32>
    %add3A_28 = vector.broadcast %get3A_6 : vector<1x896xf32> to vector<304x896xf32>
    %add3A_29 = arith.addf %dot_general3A_27, %add3A_28 : vector<304x896xf32>
    %swap3A_30 = arith.constant 1 : index
    %swap3A_31 = arith.constant 0 : index
    %swap3A_32 = arith.constant 0 : index
    %swap3A_33 = vector.load %arg5[%swap3A_30, %swap3A_31, %swap3A_32] : memref<8x304x896xf32, #tpu.memory_space<vmem>>, vector<1x304x896xf32>
    %swap3A_34 = vector.shape_cast %swap3A_33 : vector<1x304x896xf32> to vector<304x896xf32>
    %swap3A_35 = vector.shape_cast %add3A_29 : vector<304x896xf32> to vector<1x304x896xf32>
    tpu.vector_store %arg5[%swap3A_30, %swap3A_31, %swap3A_32], %swap3A_35 {strides = array<i32>} : memref<8x304x896xf32, #tpu.memory_space<vmem>>, vector<1x304x896xf32>,
    %get3A_36 = arith.constant 2 : index
    %get3A_37 = arith.constant 0 : index
    %get3A_38 = arith.constant 0 : index
    %get3A_39 = vector.load %arg1[%get3A_36, %get3A_37, %get3A_38] : memref<8x304x128xf32, #tpu.memory_space<vmem>>, vector<1x304x128xf32>
    %get3A_40 = vector.shape_cast %get3A_39 : vector<1x304x128xf32> to vector<304x128xf32>
    %convert_element_type3A_41 = arith.truncf %get3A_40 : vector<304x128xf32> to vector<304x128xbf16>
    %dot_general3A_42 = arith.constant dense<0.000000e+00> : vector<304x896xf32>
    %dot_general3A_43 = tpu.matmul %convert_element_type3A_41, %get3A_3, %dot_general3A_42 {dimension_numbers = #tpu.dot_dimension_numbers<[1], [0], [0], [1], [0, 0, 1, 1], [], []>, transpose_lhs_hint = false} : vector<304x128xbf16>, vector<128x896xbf16>, vector<304x896xf32> -> vector<304x896xf32>
    %add3A_44 = vector.broadcast %get3A_6 : vector<1x896xf32> to vector<304x896xf32>
    %add3A_45 = arith.addf %dot_general3A_43, %add3A_44 : vector<304x896xf32>
    %swap3A_46 = arith.constant 2 : index
    %swap3A_47 = arith.constant 0 : index
    %swap3A_48 = arith.constant 0 : index
    %swap3A_49 = vector.load %arg5[%swap3A_46, %swap3A_47, %swap3A_48] : memref<8x304x896xf32, #tpu.memory_space<vmem>>, vector<1x304x896xf32>
    %swap3A_50 = vector.shape_cast %swap3A_49 : vector<1x304x896xf32> to vector<304x896xf32>
    %swap3A_51 = vector.shape_cast %add3A_45 : vector<304x896xf32> to vector<1x304x896xf32>
    tpu.vector_store %arg5[%swap3A_46, %swap3A_47, %swap3A_48], %swap3A_51 {strides = array<i32>} : memref<8x304x896xf32, #tpu.memory_space<vmem>>, vector<1x304x896xf32>,
    %get3A_52 = arith.constant 3 : index
    %get3A_53 = arith.constant 0 : index
    %get3A_54 = arith.constant 0 : index
    %get3A_55 = vector.load %arg1[%get3A_52, %get3A_53, %get3A_54] : memref<8x304x128xf32, #tpu.memory_space<vmem>>, vector<1x304x128xf32>
    %get3A_56 = vector.shape_cast %get3A_55 : vector<1x304x128xf32> to vector<304x128xf32>
    %convert_element_type3A_57 = arith.truncf %get3A_56 : vector<304x128xf32> to vector<304x128xbf16>
    %dot_general3A_58 = arith.constant dense<0.000000e+00> : vector<304x896xf32>
    %dot_general3A_59 = tpu.matmul %convert_element_type3A_57, %get3A_3, %dot_general3A_58 {dimension_numbers = #tpu.dot_dimension_numbers<[1], [0], [0], [1], [0, 0, 1, 1], [], []>, transpose_lhs_hint = false} : vector<304x128xbf16>, vector<128x896xbf16>, vector<304x896xf32> -> vector<304x896xf32>
    %add3A_60 = vector.broadcast %get3A_6 : vector<1x896xf32> to vector<304x896xf32>
    %add3A_61 = arith.addf %dot_general3A_59, %add3A_60 : vector<304x896xf32>
    %swap3A_62 = arith.constant 3 : index
    %swap3A_63 = arith.constant 0 : index
    %swap3A_64 = arith.constant 0 : index
    %swap3A_65 = vector.load %arg5[%swap3A_62, %swap3A_63, %swap3A_64] : memref<8x304x896xf32, #tpu.memory_space<vmem>>, vector<1x304x896xf32>
    %swap3A_66 = vector.shape_cast %swap3A_65 : vector<1x304x896xf32> to vector<304x896xf32>
    %swap3A_67 = vector.shape_cast %add3A_61 : vector<304x896xf32> to vector<1x304x896xf32>
    tpu.vector_store %arg5[%swap3A_62, %swap3A_63, %swap3A_64], %swap3A_67 {strides = array<i32>} : memref<8x304x896xf32, #tpu.memory_space<vmem>>, vector<1x304x896xf32>,
    %get3A_68 = arith.constant 4 : index
    %get3A_69 = arith.constant 0 : index
    %get3A_70 = arith.constant 0 : index
    %get3A_71 = vector.load %arg1[%get3A_68, %get3A_69, %get3A_70] : memref<8x304x128xf32, #tpu.memory_space<vmem>>, vector<1x304x128xf32>
    %get3A_72 = vector.shape_cast %get3A_71 : vector<1x304x128xf32> to vector<304x128xf32>
    %convert_element_type3A_73 = arith.truncf %get3A_72 : vector<304x128xf32> to vector<304x128xbf16>
    %dot_general3A_74 = arith.constant dense<0.000000e+00> : vector<304x896xf32>
    %dot_general3A_75 = tpu.matmul %convert_element_type3A_73, %get3A_3, %dot_general3A_74 {dimension_numbers = #tpu.dot_dimension_numbers<[1], [0], [0], [1], [0, 0, 1, 1], [], []>, transpose_lhs_hint = false} : vector<304x128xbf16>, vector<128x896xbf16>, vector<304x896xf32> -> vector<304x896xf32>
    %add3A_76 = vector.broadcast %get3A_6 : vector<1x896xf32> to vector<304x896xf32>
    %add3A_77 = arith.addf %dot_general3A_75, %add3A_76 : vector<304x896xf32>
    %swap3A_78 = arith.constant 4 : index
    %swap3A_79 = arith.constant 0 : index
    %swap3A_80 = arith.constant 0 : index
    %swap3A_81 = vector.load %arg5[%swap3A_78, %swap3A_79, %swap3A_80] : memref<8x304x896xf32, #tpu.memory_space<vmem>>, vector<1x304x896xf32>
    %swap3A_82 = vector.shape_cast %swap3A_81 : vector<1x304x896xf32> to vector<304x896xf32>
    %swap3A_83 = vector.shape_cast %add3A_77 : vector<304x896xf32> to vector<1x304x896xf32>
    tpu.vector_store %arg5[%swap3A_78, %swap3A_79, %swap3A_80], %swap3A_83 {strides = array<i32>} : memref<8x304x896xf32, #tpu.memory_space<vmem>>, vector<1x304x896xf32>,
    %get3A_84 = arith.constant 5 : index
    %get3A_85 = arith.constant 0 : index
    %get3A_86 = arith.constant 0 : index
    %get3A_87 = vector.load %arg1[%get3A_84, %get3A_85, %get3A_86] : memref<8x304x128xf32, #tpu.memory_space<vmem>>, vector<1x304x128xf32>
    %get3A_88 = vector.shape_cast %get3A_87 : vector<1x304x128xf32> to vector<304x128xf32>
    %convert_element_type3A_89 = arith.truncf %get3A_88 : vector<304x128xf32> to vector<304x128xbf16>
    %dot_general3A_90 = arith.constant dense<0.000000e+00> : vector<304x896xf32>
    %dot_general3A_91 = tpu.matmul %convert_element_type3A_89, %get3A_3, %dot_general3A_90 {dimension_numbers = #tpu.dot_dimension_numbers<[1], [0], [0], [1], [0, 0, 1, 1], [], []>, transpose_lhs_hint = false} : vector<304x128xbf16>, vector<128x896xbf16>, vector<304x896xf32> -> vector<304x896xf32>
    %add3A_92 = vector.broadcast %get3A_6 : vector<1x896xf32> to vector<304x896xf32>
    %add3A_93 = arith.addf %dot_general3A_91, %add3A_92 : vector<304x896xf32>
    %swap3A_94 = arith.constant 5 : index
    %swap3A_95 = arith.constant 0 : index
    %swap3A_96 = arith.constant 0 : index
    %swap3A_97 = vector.load %arg5[%swap3A_94, %swap3A_95, %swap3A_96] : memref<8x304x896xf32, #tpu.memory_space<vmem>>, vector<1x304x896xf32>
    %swap3A_98 = vector.shape_cast %swap3A_97 : vector<1x304x896xf32> to vector<304x896xf32>
    %swap3A_99 = vector.shape_cast %add3A_93 : vector<304x896xf32> to vector<1x304x896xf32>
    tpu.vector_store %arg5[%swap3A_94, %swap3A_95, %swap3A_96], %swap3A_99 {strides = array<i32>} : memref<8x304x896xf32, #tpu.memory_space<vmem>>, vector<1x304x896xf32>,
    %get3A_100 = arith.constant 6 : index
    %get3A_101 = arith.constant 0 : index
    %get3A_102 = arith.constant 0 : index
    %get3A_103 = vector.load %arg1[%get3A_100, %get3A_101, %get3A_102] : memref<8x304x128xf32, #tpu.memory_space<vmem>>, vector<1x304x128xf32>
    %get3A_104 = vector.shape_cast %get3A_103 : vector<1x304x128xf32> to vector<304x128xf32>
    %convert_element_type3A_105 = arith.truncf %get3A_104 : vector<304x128xf32> to vector<304x128xbf16>
    %dot_general3A_106 = arith.constant dense<0.000000e+00> : vector<304x896xf32>
    %dot_general3A_107 = tpu.matmul %convert_element_type3A_105, %get3A_3, %dot_general3A_106 {dimension_numbers = #tpu.dot_dimension_numbers<[1], [0], [0], [1], [0, 0, 1, 1], [], []>, transpose_lhs_hint = false} : vector<304x128xbf16>, vector<128x896xbf16>, vector<304x896xf32> -> vector<304x896xf32>
    %add3A_108 = vector.broadcast %get3A_6 : vector<1x896xf32> to vector<304x896xf32>
    %add3A_109 = arith.addf %dot_general3A_107, %add3A_108 : vector<304x896xf32>
    %swap3A_110 = arith.constant 6 : index
    %swap3A_111 = arith.constant 0 : index
    %swap3A_112 = arith.constant 0 : index
    %swap3A_113 = vector.load %arg5[%swap3A_110, %swap3A_111, %swap3A_112] : memref<8x304x896xf32, #tpu.memory_space<vmem>>, vector<1x304x896xf32>
    %swap3A_114 = vector.shape_cast %swap3A_113 : vector<1x304x896xf32> to vector<304x896xf32>
    %swap3A_115 = vector.shape_cast %add3A_109 : vector<304x896xf32> to vector<1x304x896xf32>
    tpu.vector_store %arg5[%swap3A_110, %swap3A_111, %swap3A_112], %swap3A_115 {strides = array<i32>} : memref<8x304x896xf32, #tpu.memory_space<vmem>>, vector<1x304x896xf32>,
    %get3A_116 = arith.constant 7 : index
    %get3A_117 = arith.constant 0 : index
    %get3A_118 = arith.constant 0 : index
    %get3A_119 = vector.load %arg1[%get3A_116, %get3A_117, %get3A_118] : memref<8x304x128xf32, #tpu.memory_space<vmem>>, vector<1x304x128xf32>
    %get3A_120 = vector.shape_cast %get3A_119 : vector<1x304x128xf32> to vector<304x128xf32>
    %convert_element_type3A_121 = arith.truncf %get3A_120 : vector<304x128xf32> to vector<304x128xbf16>
    %dot_general3A_122 = arith.constant dense<0.000000e+00> : vector<304x896xf32>
    %dot_general3A_123 = tpu.matmul %convert_element_type3A_121, %get3A_3, %dot_general3A_122 {dimension_numbers = #tpu.dot_dimension_numbers<[1], [0], [0], [1], [0, 0, 1, 1], [], []>, transpose_lhs_hint = false} : vector<304x128xbf16>, vector<128x896xbf16>, vector<304x896xf32> -> vector<304x896xf32>
    %add3A_124 = vector.broadcast %get3A_6 : vector<1x896xf32> to vector<304x896xf32>
    %add3A_125 = arith.addf %dot_general3A_123, %add3A_124 : vector<304x896xf32>
    %swap3A_126 = arith.constant 7 : index
    %swap3A_127 = arith.constant 0 : index
    %swap3A_128 = arith.constant 0 : index
    %swap3A_129 = vector.load %arg5[%swap3A_126, %swap3A_127, %swap3A_128] : memref<8x304x896xf32, #tpu.memory_space<vmem>>, vector<1x304x896xf32>
    %swap3A_130 = vector.shape_cast %swap3A_129 : vector<1x304x896xf32> to vector<304x896xf32>
    %swap3A_131 = vector.shape_cast %add3A_125 : vector<304x896xf32> to vector<1x304x896xf32>
    tpu.vector_store %arg5[%swap3A_126, %swap3A_127, %swap3A_128], %swap3A_131 {strides = array<i32>} : memref<8x304x896xf32, #tpu.memory_space<vmem>>, vector<1x304x896xf32>,
    return
  }
  func.func @transform_0(%arg0: i32) -> (i32, i32, i32) {
    %c0_i32 = arith.constant 0 : i32
    %c0_i32_0 = arith.constant 0 : i32
    %c0_i32_1 = arith.constant 0 : i32
    return %arg0, %c0_i32, %c0_i32_0 : i32, i32, i32
  }
  func.func @transform_1(%arg0: i32) -> (i32, i32) {
    %c0_i32 = arith.constant 0 : i32
    %c0_i32_0 = arith.constant 0 : i32
    %c0_i32_1 = arith.constant 0 : i32
    return %c0_i32, %c0_i32_0 : i32, i32
  }
  func.func @transform_2(%arg0: i32) -> (i32, i32) {
    %c0_i32 = arith.constant 0 : i32
    %c0_i32_0 = arith.constant 0 : i32
    %c0_i32_1 = arith.constant 0 : i32
    return %c0_i32, %c0_i32_0 : i32, i32
  }
  func.func @transform_3(%arg0: i32) -> (i32, i32) {
    %c0_i32 = arith.constant 0 : i32
    %c0_i32_0 = arith.constant 0 : i32
    %c0_i32_1 = arith.constant 0 : i32
    return %c0_i32, %c0_i32_0 : i32, i32
  }
  func.func @transform_4(%arg0: i32) -> (i32, i32, i32) {
    %c0_i32 = arith.constant 0 : i32
    %c0_i32_0 = arith.constant 0 : i32
    %c0_i32_1 = arith.constant 0 : i32
    return %arg0, %c0_i32, %c0_i32_0 : i32, i32, i32
  }
}

</mosaic_0001>

<sc_bundles>
// kernel: sparse-core-data-format-call.cloned.1.call-start
scs
called_computation_lowered:
.L_overlay_start_0:
0x0: {  	s2 =	sld [smem:$0x3FD9]  }
0x1: {  	s3 =	sld [smem:$0x3FFE];
	_ =	sdelay $0x1  }
0x2: {  	s1 =	srdreg.scid  }
0x3: {  	s0 =	sand.u32 $0x1, s1  }
0x4: {  	s18 =	sshll.u32 s0, $0xA;
	s2 =	sadd.s32 s3, s2  }
0x5: {  	s2 =	sadd.s32 s2, s18  }
0x6: {  	[smem:$0x3FC2] =	sst s2  }
0x7: {  	_ = 	snop  }
0x8: {  	s2 =	sld [smem:$0x3FD0];
	(tm) =	ssettm $0x1  }
0x9: {  	s19 =	sld [smem:$0x3FFB];
	_ =	sdelay $0x3  }
0xa: {  	_ =	strace s19  }
0xb: {  	s3 =	sld [smem:$0x3FFC];
	_ =	sdelay $0x3  }
0xc: {  	_ =	strace s3  }
0xd: {  	s3 =	sld [smem:$0x3FFD];
	_ =	sdelay $0x3  }
0xe: {  	_ =	strace s3  }
0xf: {  	_ =	strace $0x8FFFFFFF  }
0x10: {  	s20 =	sld [smem:$0x3FDB];
	_ =	sdelay $0x1  }
0x11: {  	s4 =	simm.s32 $_scs_section_size  }
0x12: {  	s5 =	simm.s32 $_size__tile_overlayer_lowered;
	s6 =	simm.s32 $_tile_overlayer_lowered  }
0x13: {  	s23 =	simm.s32 $0x1BFF;
	s22 =	sshll.u32 s6, $0x1;
	s3 =	sadd.s32 s4, s20  }
0x14: {  	s7 =	simm.s32 $0x0;
	s21 =	sshll.u32 s5, $0x1;
	s5 =	sadd.s32 s22, s3  }
0x15: {  	[timem:s7], [sflag:s23] =	dma.local [hbm:s5], s21  }
0x16: {  	_ =	swait.ge [sflag:s23], s21  }
0x17: {  	s4 =	ssub.s32 $0x0, s21;
	[sflag:s23] =	ssyncset.done $0x0  }
0x18: {  	[sflag:s23] =	ssyncadd.s32 s4;
	_ =	sdelay $0x1  }
0x19: {  	s24 =	simm.s32 $0x1B8B  }
0x1a: {  	_ =	swait.ge [sflag:s24], $0x1  }
0x1b: {  	[sflag:s24] =	ssyncset.done $0x0  }
0x1c: {  	s26 =	simm.s32 $0x1B8E;
	s25 =	sld [smem:$0x3FFE];
	[sflag:s24] =	ssyncadd.s32 $0xFFFFFFFF  }
0x1d: {  	s27 =	simm.s32 $execute0_lowered;
	[smem:$0x3FD2] =	sst s26  }
0x1e: {  	s5 =	sshll.u32 s27, $0x1;
	_ =	strace $0x80000046;
	[dreg:$0x1] =	wrdreg $0xFFFFFFFF  }
0x1f: {  	s28 =	simm.s32 $_size_execute0_lowered;
	s3 =	sadd.s32 s3, s5;
	[dreg:$0x0] =	wrdreg $0x0  }
0x20: {  	s5 =	sshll.u32 s28, $0x1;
	[dreg:$0x2] =	wrdreg s3  }
0x21: {  	[dreg:$0x3] =	wrdreg s5  }
0x22: {  	[dreg:$0x4] =	wrdreg $0xC0  }
0x23: {  	_ =	task [dreg:s7], $0x5FFFF  }
0x24: {  	[dreg:$0x1] =	wrdreg $0xFFFFFFFF  }
0x25: {  	[dreg:$0x0] =	wrdreg $0x60  }
0x26: {  	[dreg:$0x2] =	wrdreg s25  }
0x27: {  	[dreg:$0x3] =	wrdreg s2  }
0x28: {  	[dreg:$0x4] =	wrdreg $0x9  }
0x29: {  	_ =	task.clear_ibuf [dreg:s7], $0x5FFFF;
	_ =	strace $0x90000046  }
0x2a: {  	s29 =	simm.s32 $0x9;
	_ =	strace $0x80000048  }
0x2b: {  	_ =	swait.ge [sflag:s29], $0x1  }
0x2c: {  	[sflag:s29] =	ssyncadd.s32 $0xFFFFFFFF  }
0x2d: {  	_ =	strace $0x90000048  }
0x2e: {  	_ =	sfence  }
0x2f: {  	s30 =	sld [smem:$0x0];
	_ =	sdelay $0x2  }
0x30: {  	s31 =	sshll.u32 s1, $0xD;
	s1 =	sshrl.u32 s1, $0x2  }
0x31: {  	s3 =	sand.u32 $0x4000, s31;
	s1 =	sadd.s32 s1, s30  }
0x32: {  	s0 =	sor.u32 s3, s0;
	s1 =	sshll.u32 s1, $0x11  }
0x33: {  	s0 =	sor.u32 s1, s0  }
0x34: {  	s0 =	sadd.s32 $0x8F2B, s0  }
0x35: {  	[sflag:s0] =	ssyncadd.remote.s32 $0x1  }
0x36: {  	_ =	sfence.sel $0xFFFF  }
0x37: {  	[dreg:$0x0] =	wrdreg $0xFFFFFFFF;
	(pc) =	sbr.abs _section_cstart, $3  }
0x38: {  	[dreg:$0x1] =	wrdreg $0xFFFFFFFF  }
0x39: {  	_ =	task.clear_ibuf [dreg:s7], $0x2FFFF;
	_ =	strace $0x9FFFFFFF  }
0x3a: {  	(tm) =	ssettm $0x7FFFFFFF  }
0x3b: {  	_ =	shalt  }
tec
execute0_lowered:
.L_overlay_start_1:
0x0: {  	(tag) =	ssettag $0x1  }
0x1: {  	s0 =	stileid.u32  }
0x2: {  	s1 =	srdreg.scid;
	s7 =	rddreg [dreg:$0x0];
	s8 =	simm.s32 $0x2  }
0x3: {  	s17 =	simm.s32 $0x0;
	s1 =	sshll.u32 s1, $0x4;
	s2 =	sshll.u32 s0, $0x7  }
0x4: {  	p0 =	por $0x0, $0x0;
	s3 =	sand.u32 $0x10, s1;
	s1 =	sand.u32 $0x80, s2  }
0x5: {  	s9 =	simm.s32 $0x800;
	s30 =	sor.u32 s0, s3;
	s4 =	ssub.s32 $0x100, s1  }
0x6: {  	s19 =	simm.s32 $0x0;
	s3 =	sshrl.u32 s30, $0x1;
	s31 =	sshrl.u32 s4, $0x7  }
0x7: {  	s4 =	sshrl.u32 s4, $0x8;
	s2 =	sand.u32 $0x1, s31;
	s5 =	ssub.s32 $0x13B, s3  }
0x8: {  	s18 =	simm.s32 $0x0;
	s2 =	sadd.s32 s4, s2;
	s5 =	sshrl.u32 s5, $0x4  }
0x9: {  	s10 =	simm.s32 $0x0;
	s11 =	simm.s32 $0x0;
	s6 =	smul.u32 s5, s2  }
.Ltmp0:
0xa: {  	s12 =	simm.s32 $0x0;
	s4 =	rddreg [dreg:$0x1];
	(pc) =	sbr.rel .LBB1_1-.Ltmp0, $4  }
0xb: {  	s13 =	simm.s32 $0x0;
	s16 =	simm.s32 $0x0;
	s2 =	rddreg [dreg:$0x2]  }
0xc: {  	_ =	strace $0x80000047;
	s5 =	simm.s32 $0x1;
	s6 =	smul.u32 $0x7, s6  }
0xd: {  	s7 =	sadd.s32 $0x130000, s7;
	s15 =	smov.u32 s1;
	[sflag:s5] =	ssyncpa.u1 $0x0  }
0xe: {  	s14 =	smov.u32 s3;
	[sflag:s8] =	ssyncpa.u1 $0x0;
	s8 =	sadd.s32 $0x1, s6  }
.LBB1_4:
0xf: {  	s25 =	sshll.u32 s10, $0x8;
	s26 =	sshll.u32 s12, $0x3;
	s27 =	sshll.u32 s10, $0x7  }
0x10: {  	p1 =	sgt.s32 s11, $0x12B;
	s28 =	smov.u32 s11;
	s24 =	sshra.s32 s24, $0x2  }
0x11: {  	p2 =	sgt.s32 s12, $0x80;
	s25 =	sand.u32 $0xFFFFF800, s25;
	s26 =	sand.u32 $0xFFFFFC00, s26  }
0x12: {  	s29 =	sand.u32 $0x300, s27;
	s28 =	simm.s32 @!p1 $0x12B;
	s25 =	sadd.s32 s26, s25  }
0x13: {  	s23 =	sadd.s32 s24, s23;
	s25 =	sor.u32 s29, s25;
	s29 =	sshra.s32 s11, $0x1F  }
0x14: {  	s27 =	sand.u32 $0x80, s27;
	s25 =	sshrl.u32 s25, $0x8;
	s29 =	sand.u32 s29, s11  }
0x15: {  	s30 =	smulhi.u32 $0x147AE15, s25;
	s26 =	ssub.s32 s28, s29;
	s29 =	smov.u32 s12  }
0x16: {  	s28 =	sadd.s32 $0xFFFFFED5, s26;
	s29 =	simm.s32 @!p2 $0x80;
	p2 =	sgt.s32 s10, $0x2A0  }
0x17: {  	v5 =	vld [tilespmem:s21+$0xFFFFFFD0];
	[tilespmem:s22+$0x2040 ss:$0x81] =	vst.msk $0xffff, v4;
	s26 =	ssub.s32 $0x12C, s26;
	s24 =	sshrl.u32 s30, $0x2;
	s30 =	sshra.s32 s12, $0x1F  }
0x18: {  	v58 =	vld [tilespmem:s21+$0xFFFFFFE0];
	[tilespmem:s22+$0x2850 ss:$0x81] =	vst.msk $0xffff, v3;
	p1 =	sgt.s32 s28, $0x0;
	s31 =	sand.u32 s30, s12;
	s30 =	smov.u32 s10  }
0x19: {  	v59 =	vld [tilespmem:s21+$0xFFFFFFF0];
	[tilespmem:s22+$0x3060 ss:$0x81] =	vst.msk $0xffff, v2;
	s24 =	smul.u32 $0x320, s24;
	s28 =	ssub.s32 s29, s31;
	s31 =	sshra.s32 s10, $0x1F  }
0x1a: {  	[tilespmem:s22+$0x0 ss:$0x81] =	vst.msk $0xffff, v1;
	v60 =	vld [tilespmem:s21+$0x0];
	s26 =	simm.s32 @p1 $0x0;
	s30 =	simm.s32 @!p2 $0x2A0;
	s29 =	sand.u32 s31, s10  }
0x1b: {  	v61 =	vld [tilespmem:s21+$0x10];
	[tilespmem:s23+$0x3870 ss:$0x81] =	vst.msk $0xffff, v0;
	s24 =	ssub.s32 s25, s24;
	s22 =	ssub.s32 s30, s29;
	s30 =	sadd.s32 $0xFFFFFF80, s28  }
0x1c: {  	v62 =	vld [tilespmem:s21+$0x20];
	[tilespmem:s23+$0x810 ss:$0x81] =	vst.msk $0xffff, v5;
	s28 =	ssub.s32 $0x100, s28;
	p1 =	sgt.s32 s30, $0x7F;
	s31 =	sadd.s32 $0xFFFFFD60, s22  }
0x1d: {  	v63 =	vld [tilespmem:s21+$0xFFFFFFC0];
	[tilespmem:s23+$0x1020 ss:$0x81] =	vst.msk $0xffff, v58;
	p2 =	sgt.s32 s31, $0x7F;
	s28 =	simm.s32 @p1 $0x0;
	s31 =	smul.u32 $0x6400, s11  }
0x1e: {  	[tilespmem:s23+$0x1830 ss:$0x81] =	vst.msk $0xffff, v59;
	s30 =	sand.u32 $0x78, s12;
	s22 =	ssub.s32 $0x320, s22;
	s26 =	smul.u32 s28, s26  }
0x1f: {  	[tilespmem:s23+$0x2040 ss:$0x81] =	vst.msk $0xffff, v60;
	s29 =	sand.u32 $0x7, s12;
	s21 =	sor.u32 s30, s27;
	s22 =	simm.s32 @p2 $0x0  }
0x20: {  	[tilespmem:s23+$0x2850 ss:$0x81] =	vst.msk $0xffff, v61;
	s21 =	sshrl.u32 s21, $0x3;
	s28 =	sadd.s32 s4, s31;
	s22 =	smul.u32 s22, s26  }
0x21: {  	[tilespmem:s23+$0x3060 ss:$0x81] =	vst.msk $0xffff, v62;
	s24 =	sshll.u32 s24, $0x5;
	s30 =	sshll.u32 s29, $0x12;
	s21 =	sadd.s32 s21, s28  }
0x22: {  	[tilespmem:s23+$0x0 ss:$0x81] =	vst.msk $0xffff, v63;
	s31 =	sor.u32 $0x400, s30;
	s21 =	sadd.s32 s24, s21;
	s22 =	sand.u32 $0x3FFFFFFF, s22  }
0x23: {  	[hbm4b:s21+s31] =	stream.strided.scatter [tilespmem:s20], [sflag:$0x2], s22, s9, s31, $0x20;
	[tilespmem:$0x10100] =	vst v63  }
.LBB1_5:
0x24: {  	p1 =	slt.u32 s16, $0x2  }
0x25: {  	p2 =	sgt.s32 @!p1 s19, $0x12B  }
0x26: {  	s20 =	smov.u32 s19;
	s21 =	sshra.s32 @!p1 s19, $0x1F;
	p2 =	por !p2, p1  }
0x27: {  	s19 =	sand.u32 @!p1 s21, s19;
	s20 =	simm.s32 @p2 $0x12B  }
0x28: {  	p3 =	sgt.s32 @!p1 s18, $0x80;
	s19 =	ssub.s32 @!p1 s20, s19  }
0x29: {  	p3 =	por !p3, p1;
	s21 =	sshra.s32 @!p1 s18, $0x1F;
	s20 =	sadd.s32 @!p1 $0xFFFFFED5, s19  }
0x2a: {  	s19 =	ssub.s32 @!p1 $0x12C, s19;
	p2 =	sgt.s32 @!p1 s20, $0x0;
	s20 =	smov.u32 s18  }
0x2b: {  	s18 =	sand.u32 @!p1 s21, s18;
	s20 =	simm.s32 @p3 $0x80;
	p3 =	sgt.s32 @!p1 s17, $0x2A0  }
0x2c: {  	s21 =	smov.u32 s17;
	p2 =	por !p2, p1;
	p3 =	por !p3, p1  }
0x2d: {  	s18 =	ssub.s32 @!p1 s20, s18;
	s20 =	sshra.s32 @!p1 s17, $0x1F;
	s19 =	simm.s32 @!p2 $0x0  }
0x2e: {  	s21 =	simm.s32 @p3 $0x2A0;
	s17 =	sand.u32 @!p1 s20, s17;
	s20 =	sadd.s32 @!p1 $0xFFFFFF80, s18  }
0x2f: {  	s18 =	ssub.s32 @!p1 $0x100, s18;
	s17 =	ssub.s32 @!p1 s21, s17;
	p2 =	sgt.s32 @!p1 s20, $0x7F  }
0x30: {  	s21 =	smov.u32 s14;
	s20 =	sadd.s32 @!p1 $0xFFFFFD60, s17;
	p2 =	por !p2, p1  }
0x31: {  	s17 =	ssub.s32 @!p1 $0x320, s17;
	p3 =	sgt.s32 @!p1 s20, $0x7F;
	s18 =	simm.s32 @!p2 $0x0  }
0x32: {  	s20 =	sadd.s32 $0x80, s13;
	p2 =	por !p3, p1;
	s18 =	smul.u32 @!p1 s18, s19  }
0x33: {  	s19 =	sadd.s32 $0x10, s14;
	s17 =	simm.s32 @!p2 $0x0;
	p2 =	sgt.s32 s20, $0x31F  }
0x34: {  	s22 =	smov.u32 s15;
	s21 =	smov.u32 @p2 s19  }
0x35: {  	s17 =	smul.u32 @!p1 s17, s18;
	s18 =	sadd.s32 $0x100, s15;
	p3 =	sgt.s32 s21, $0x12B  }
0x36: {  	p0 =	por !p0, !p0;
	s23 =	simm.s32 @!p1 $0x2;
	s22 =	smov.u32 @p3 s18  }
0x37: {  	s20 =	simm.s32 @p2 $0x0;
	s19 =	smov.u32 s11;
	p2 =	sgt.s32 s22, $0xFF  }
0x38: {  	s11 =	smov.u32 s14;
	s22 =	smov.u32 @p2 s1;
	p2 =	sne.s32 s16, s8  }
.Ltmp1:
0x39: {  	s17 =	sand.u32 @!p1 $0x3FFFFFFF, s17;
	s21 =	smov.u32 @p3 s3;
	(pc) =	sbr.rel @!p2 .LBB1_6-.Ltmp1, $4  }
0x3a: {  	s18 =	smov.u32 s12;
	s12 =	smov.u32 s15;
	_ =	swait.ge @!p1 [sflag:s23], s17  }
0x3b: {  	s24 =	ssub.s32 @!p1 $0x0, s17;
	s17 =	smov.u32 s10;
	s10 =	smov.u32 s13  }
0x3c: {  	s13 =	smov.u32 s20;
	s14 =	smov.u32 s21;
	[sflag:s23] =	ssyncset.done @!p1 $0x0  }
0x3d: {  	s16 =	sadd.s32 $0x1, s16;
	[sflag:s23] =	ssyncadd.s32 @!p1 s24;
	s15 =	smov.u32 s22  }
.LBB1_1:
0x3e: {  	p1 =	sge.u32 s16, s6  }
0x3f: {  	s20 =	sshrl.u32 @!p1 s14, $0x3  }
0x40: {  	s21 =	sshll.u32 @!p1 s13, $0x3;
	s20 =	smul.u32 @!p1 $0x1C00, s20  }
0x41: {  	s22 =	sshll.u32 @!p1 s14, $0x7;
	s21 =	sand.u32 @!p1 $0xFFFFFC00, s21  }
0x42: {  	s20 =	sadd.s32 @!p1 s20, s21;
	s21 =	sand.u32 @!p1 $0x380, s22  }
0x43: {  	s20 =	sor.u32 @!p1 s21, s20  }
0x44: {  	s21 =	sshrl.u32 @!p1 s20, $0x7  }
0x45: {  	s21 =	smulhi.u32 @!p1 $0x24924925, s21;
	_ =	sdelay $0x1  }
0x46: {  	s22 =	smulhi.u32 @!p1 $0xD79436, s21;
	_ =	sdelay $0x1  }
0x47: {  	s23 =	sand.u32 @!p1 $0x7F, s13;
	s22 =	smul.u32 @!p1 $0x130, s22  }
0x48: {  	s31 =	sadd.s32 $0xFFFFFFFF, s16;
	s20 =	sor.u32 @!p1 s23, s20;
	s23 =	smul.u32 @!p1 $0x380, s21  }
0x49: {  	s24 =	sxor.u32 @!p1 $0xFFFFFFFF, s16;
	s21 =	ssub.s32 @!p1 s21, s22;
	s22 =	smul.u32 @!p1 $0x8500, s15  }
0x4a: {  	s24 =	sshll.u32 @!p1 s24, $0xE;
	s20 =	ssub.s32 @!p1 s20, s23;
	s21 =	smul.u32 @!p1 $0x70, s21  }
0x4b: {  	s23 =	sand.u32 @!p1 $0x4000, s24;
	s24 =	sand.u32 @!p1 $0x7, s20;
	s22 =	sadd.s32 @!p1 s7, s22  }
0x4c: {  	s20 =	sshrl.u32 @!p1 s20, $0x3;
	s21 =	sadd.s32 @!p1 s21, s22;
	s22 =	sshll.u32 @!p1 s24, $0x12  }
0x4d: {  	s20 =	sadd.s32 @!p1 s20, s21;
	s21 =	sor.u32 @!p1 $0x80, s22;
	s22 =	simm.s32 @!p1 $0x42800  }
0x4e: {  	[tilespmem:s23], [sflag:$0x1] =	stream.strided.gather @!p1 [hbm4b:s20+s21], $0x4000, s22, s21, $0x38;
	[tilespmem:$0x10100] =	vst v63  }
0x4f: {  	p1 =	sge.u32 s31, s6  }
.Ltmp2:
0x50: {  	_ = 	snop;
	(pc) =	sbr.rel @p1 .LBB1_5-.Ltmp2, $1  }
0x51: {  	_ =	sdelay $0x3  }
0x52: {  	s20 =	simm.s32 $0x1  }
0x53: {  	_ =	swait.ge [sflag:s5], $0x4000;
	s20 =	simm.s32 @!p0 $0x0  }
0x54: {  	[sflag:s5] =	ssyncset.done $0x0;
	s21 =	sshll.u32 s20, $0xE  }
0x55: {  	[sflag:s5] =	ssyncadd.s32 $0xFFFFC000;
	s21 =	sor.u32 $0x40, s21  }
0x56: {  	s20 =	smul.u32 $0x10200, s20;
	v0 =	vld [tilespmem:s21+$0x30]  }
0x57: {  	v1 =	vld [tilespmem:s21+$0xFFFFFFD0]  }
0x58: {  	s20 =	sshrl.u32 s20, $0x2;
	v5 =	vld [tilespmem:s21+$0xFFFFFFE0]  }
0x59: {  	v6 =	vld [tilespmem:s21+$0xFFFFFFF0];
	s23 =	sor.u32 $0x8000, s20  }
0x5a: {  	s31 =	sand.u32 $0x1, s16;
	v4 =	vld [tilespmem:s21+$0x0];
	s22 =	sadd.s32 $0x0, s23  }
0x5b: {  	v3 =	vld [tilespmem:s21+$0x10];
	s20 =	smul.u32 $0x10200, s31;
	[tilespmem:s22+$0x3870 ss:$0x81] =	vst.msk $0xffff, v0  }
0x5c: {  	v2 =	vld [tilespmem:s21+$0x20];
	[tilespmem:s22+$0x810 ss:$0x81] =	vst.msk $0xffff, v1  }
0x5d: {  	s20 =	sshrl.u32 s20, $0x2;
	v1 =	vld [tilespmem:s21+$0xFFFFFFC0];
	[tilespmem:s22+$0x1020 ss:$0x81] =	vst.msk $0xffff, v5;
	s21 =	sadd.s32 $0x80, s21  }
0x5e: {  	s24 =	simm.s32 $0x4;
	s25 =	simm.s32 $0x8;
	s20 =	sor.u32 $0x8000, s20;
	[tilespmem:s22+$0x1830 ss:$0x81] =	vst.msk $0xffff, v6;
	v0 =	vld [tilespmem:s21+$0x30]  }
.LBB1_3:
0x5f: {  	p1 =	sne.s32 s25, $0x1FC;
	v5 =	vld [tilespmem:s21+$0xFFFFFFD0];
	[tilespmem:s22+$0x2040 ss:$0x81] =	vst.msk $0xffff, v4  }
0x60: {  	v6 =	vld [tilespmem:s21+$0xFFFFFFE0];
	[tilespmem:s22+$0x2850 ss:$0x81] =	vst.msk $0xffff, v3  }
0x61: {  	s26 =	sshra.s32 s24, $0x2;
	s24 =	smov.u32 s25;
	v7 =	vld [tilespmem:s21+$0xFFFFFFF0];
	[tilespmem:s22+$0x3060 ss:$0x81] =	vst.msk $0xffff, v2  }
.Ltmp3:
0x62: {  	v4 =	vld [tilespmem:s21+$0x0];
	[tilespmem:s22+$0x0 ss:$0x81] =	vst.msk $0xffff, v1;
	s22 =	sadd.s32 s26, s23;
	(pc) =	sbr.rel @p1 .LBB1_3-.Ltmp3, $4  }
0x63: {  	v3 =	vld [tilespmem:s21+$0x10];
	[tilespmem:s22+$0x3870 ss:$0x81] =	vst.msk $0xffff, v0  }
0x64: {  	[tilespmem:s22+$0x810 ss:$0x81] =	vst.msk $0xffff, v5;
	v2 =	vld [tilespmem:s21+$0x20]  }
0x65: {  	v1 =	vld [tilespmem:s21+$0xFFFFFFC0];
	[tilespmem:s22+$0x1020 ss:$0x81] =	vst.msk $0xffff, v6;
	s21 =	sadd.s32 $0x80, s21  }
0x66: {  	s25 =	sadd.s32 $0x4, s25;
	v0 =	vld [tilespmem:s21+$0x30];
	[tilespmem:s22+$0x1830 ss:$0x81] =	vst.msk $0xffff, v7  }
.Ltmp4:
0x67: {  	_ = 	snop;
	(pc) =	sbr.rel .LBB1_4-.Ltmp4, $1  }
0x68: {  	_ =	sdelay $0x3  }
.LBB1_6:
0x69: {  	_ =	sfence.sel $0x180000  }
0x6a: {  	s1 =	simm.s32 $0x1;
	[bflag:$0x0] =	sbarrier.arrive $0xFFFF  }
0x6b: {  	s31 =	simm.s32 $0x2;
	[sflag:s1] =	ssyncpa.u1 $0x1  }
0x6c: {  	[sflag:s31] =	ssyncpa.u1 $0x1  }
0x6d: {  	p0 =	sne.s32 s0, $0x0;
	_ =	strace $0x90000047  }
0x6e: {  	s0 =	sadd.s32 @!p0 $0x100000, s2;
	[bflag:$0x2] =	sbarrier.arrive $0xFFFF  }
0x6f: {  	[sflag:s0] =	ssyncadd.tile.s32 @!p0 $0x1;
	_ =	shalt  }
.Lfunc_end1:
_tile_overlayer_lowered:
.L_overlay_start_2:
0x70: {  	(tag) =	ssettag $0x2  }
0x71: {  	s0 =	rddreg [dreg:$0x0];
	s2 =	stileid.u32  }
0x72: {  	s1 =	rddreg [dreg:$0x1];
	p0 =	sne.s32 s2, $0x0  }
0x73: {  	s3 =	rddreg [dreg:$0x2];
	[bflag:$0x3] =	sbarrier.arrive $0xFFFF;
	s2 =	simm.s32 @!p0 $0x1C01  }
0x74: {  	[timem:s3], [sflag:s2] =	dma.local @!p0 [hbm:s0], s1  }
0x75: {  	s0 =	simm.s32 @!p0 $0x1  }
0x76: {  	_ =	swait.ge @!p0 [sflag:s0], s1  }
0x77: {  	s1 =	ssub.s32 @!p0 $0x0, s1;
	[sflag:s0] =	ssyncset.done @!p0 $0x0  }
0x78: {  	[sflag:s0] =	ssyncadd.s32 @!p0 s1  }
0x79: {  	[bflag:$0x3] =	sbarrier.arrive $0xFFFF  }
0x7a: {  	_ =	shalt  }

</sc_bundles>
